<compile_context>
chip_gen: v7x
topology: tpu7x:2x2x1
jax: 0.10.2.dev20260603
libtpu: 0.0.44.dev20260713+nightly
codegen_flags: <defaults>
</compile_context>

<pallas_src>
import functools

import jax
import jax.numpy as jnp
from jax.experimental import pallas as pl
from jax.experimental.pallas import tpu as pltpu
from jax.experimental.pallas import tpu_sc as plsc

TOP_K = 10
GAMMA = 0.7
TEMPERATURE = 0.5
EPS = 1e-8
NEG = -1e30
POS = 1e30

Q = 1024
D = 128
K = 100000
KT = 2048
NT = (K + KT - 1) // KT
KSLOT = 16


def _topk_body(q_ref, k_ref, w_ref, idx_ref, vacc, iacc, sim_ref):
    t = pl.program_id(0)

    slot16 = jax.lax.broadcasted_iota(jnp.int32, (KSLOT, Q), 0)

    @pl.when(t == 0)
    def _init():
        vacc[...] = jnp.where(slot16 < TOP_K, NEG, POS).astype(jnp.float32)
        iacc[...] = jnp.zeros((KSLOT, Q), jnp.int32)

    q = q_ref[...]
    qn = q / (jnp.sqrt(jnp.sum(q * q, axis=1, keepdims=True)) + EPS)
    k = k_ref[...]
    kn = k / (jnp.sqrt(jnp.sum(k * k, axis=1, keepdims=True)) + EPS)

    sim = jax.lax.dot_general(qn, kn, (((1,), (1,)), ((), ())),
                              preferred_element_type=jnp.float32)

    col = jax.lax.broadcasted_iota(jnp.int32, (Q, KT), 1)
    gcol = col + t * KT
    stored = jnp.where(gcol < K, sim, NEG)
    sim_ref[...] = stored

    m0 = jnp.max(stored, axis=1)
    rmin0 = jnp.min(vacc[...], axis=0)

    def _body(state):
        i, m, _ = state
        s = sim_ref[...]
        am = jnp.argmax(s, axis=1).astype(jnp.int32)
        masked = jnp.where(col == am[:, None], NEG, s)
        sim_ref[...] = masked
        m_next = jnp.max(masked, axis=1)

        rv = vacc[...]
        rmin = jnp.min(rv, axis=0)
        better = m > rmin
        lmin = jnp.min(jnp.where(rv == rmin[None, :], slot16, KSLOT + 1),
                       axis=0)
        sel = (slot16 == lmin[None, :]) & better[None, :]
        nv = jnp.where(sel, m[None, :], rv)
        vacc[...] = nv
        iacc[...] = jnp.where(sel, (am + t * KT)[None, :], iacc[...])
        go = jnp.any(m_next > jnp.min(nv, axis=0))
        return i + 1, m_next, go

    def _cond(state):
        i, _, go = state
        return (i < TOP_K) & go

    jax.lax.while_loop(_cond, _body, (0, m0, jnp.any(m0 > rmin0)))

    @pl.when(t == NT - 1)
    def _final():
        v = vacc[...]
        v = jnp.where(slot16 < TOP_K, v, NEG)
        mx = jnp.max(v, axis=0, keepdims=True)
        e = jnp.exp((v - mx) / TEMPERATURE)
        w_ref[...] = e / jnp.sum(e, axis=0, keepdims=True)
        idx_ref[...] = iacc[...]


def _topk_weights(queries, keys):
    return pl.pallas_call(
        _topk_body,
        grid=(NT,),
        in_specs=[
            pl.BlockSpec((Q, D), lambda t: (0, 0)),
            pl.BlockSpec((KT, D), lambda t: (t, 0)),
        ],
        out_specs=[
            pl.BlockSpec((KSLOT, Q), lambda t: (0, 0)),
            pl.BlockSpec((KSLOT, Q), lambda t: (0, 0)),
        ],
        out_shape=[
            jax.ShapeDtypeStruct((KSLOT, Q), jnp.float32),
            jax.ShapeDtypeStruct((KSLOT, Q), jnp.int32),
        ],
        scratch_shapes=[
            pltpu.VMEM((KSLOT, Q), jnp.float32),
            pltpu.VMEM((KSLOT, Q), jnp.int32),
            pltpu.VMEM((Q, KT), jnp.float32),
        ],
    )(queries, keys)


_B = Q * KSLOT
_NW = 32
_BPW = _B // _NW
_CH = 128


def _sc_gather(keys, idx_flat):
    mesh = plsc.VectorSubcoreMesh(core_axis_name="c", subcore_axis_name="s")

    @functools.partial(
        pl.kernel,
        out_type=jax.ShapeDtypeStruct((_B, D), jnp.float32),
        mesh=mesh,
        scratch_types=[
            pltpu.VMEM((_BPW,), jnp.int32),
            pltpu.VMEM((_BPW, D), jnp.float32),
            pltpu.SemaphoreType.DMA,
        ],
    )
    def body(keys_hbm, idx_hbm, out_hbm, idx_v, rows_v, sem):
        wid = jax.lax.axis_index("s") * 2 + jax.lax.axis_index("c")
        base = wid * _BPW
        pltpu.sync_copy(idx_hbm.at[pl.ds(base, _BPW)], idx_v)
        copies = []
        for c in range(_BPW // _CH):
            copies.append(pltpu.async_copy(
                keys_hbm.at[idx_v.at[pl.ds(c * _CH, _CH)]],
                rows_v.at[pl.ds(c * _CH, _CH)], sem))
        for cp in copies:
            cp.wait()
        pltpu.sync_copy(rows_v, out_hbm.at[pl.ds(base, _BPW)])

    return body(keys, idx_flat)


def _combine_body(q_ref, w_ref, rows_ref, o_ref):
    q = q_ref[...]
    w = w_ref[...]
    rows = rows_ref[...]
    agg = jnp.sum(rows * w[:, :, None], axis=1)
    o_ref[...] = GAMMA * q + (1.0 - GAMMA) * agg


def _combine(queries, weights, rows):
    return pl.pallas_call(
        _combine_body,
        out_shape=jax.ShapeDtypeStruct((Q, D), jnp.float32),
    )(queries, weights, rows)


def kernel(queries, keys):
    weights_t, idx_t = _topk_weights(queries, keys)
    weights = weights_t.T
    idx = idx_t.T
    rows = _sc_gather(keys, idx.reshape(_B))
    return _combine(queries, weights, rows.reshape(Q, KSLOT, D))

# --- scband reference (transcript-rebuilt; emitter-appended) ---
"""Pipeline reference for scband-enhanced-gaussian-diffusion-knn-3822520893617 (READ-ONLY COPY).

The authoritative reference and input builder live on the scoring server;
editing this copy changes nothing except your own understanding.
"""

import jax, jax.numpy as jnp
import numpy as np

TOP_K = 10
GAMMA = 0.7
TEMPERATURE = 0.5
EPS = 1e-8

def setup_inputs(seed: int = 0) -> dict:
    key = jax.random.key(seed)
    k1, k2 = jax.random.split(key)
    queries = jax.random.normal(k1, (1024, 128), dtype=jnp.float32)
    keys = jax.random.normal(k2, (100000, 128), dtype=jnp.float32)
    return {"queries": queries, "keys": keys}

def reference(queries, keys):
    # Cosine similarity between query users and all users (KNN retrieval),
    # mirroring compute_cosine_similarity_matrix + get_top_k_similar_users
    # followed by the gamma-weighted, temperature-softmax aggregation of
    # top-k similar user vectors used post-diffusion.
    q_norm = queries / (jnp.linalg.norm(queries, axis=-1, keepdims=True) + EPS)
    k_norm = keys / (jnp.linalg.norm(keys, axis=-1, keepdims=True) + EPS)
    sim = q_norm @ k_norm.T  # [Q, K] cosine similarity
    top_vals, top_idx = jax.lax.top_k(sim, TOP_K)  # [Q, k]
    neighbors = jnp.take(keys, top_idx, axis=0)  # [Q, k, d] gather of similar user vectors
    weights = jax.nn.softmax(top_vals / TEMPERATURE, axis=-1)  # [Q, k]
    agg = jnp.sum(weights[..., None] * neighbors, axis=1)  # [Q, d]
    out = GAMMA * queries + (1.0 - GAMMA) * agg
    return out

if __name__ == "__main__":
    import jax
    _d = setup_inputs()
    print(jax.jit(kernel)(*tuple(_d.values())))

</pallas_src>

<mosaic_0001>
#map = affine_map<(d0, d1) -> (0, 0)>
#map1 = affine_map<(d0, d1) -> (0)>
module attributes {stable_mosaic.version = 14 : i64} {
  func.func @body(%arg0: i32, %arg1: i32, %arg2: memref<100000x128xf32, #tpu.memory_space<hbm>>, %arg3: memref<16384xi32, #tpu.memory_space<hbm>>, %arg4: memref<16384x128xf32, #tpu.memory_space<hbm>>, %arg5: memref<512xi32, #tpu.memory_space<vmem>>, %arg6: memref<512x128xf32, #tpu.memory_space<vmem>>, %arg7: memref<!tpu.dma_semaphore, #tpu.memory_space<semaphore_mem>>) attributes {dimension_semantics = [#tpu.dimension_semantics<core_parallel>, #tpu.dimension_semantics<subcore_parallel>], iteration_bounds = array<i64: 2, 16>, scalar_prefetch = 0 : i64, scratch_operands = 3 : i64, tpu.core_type = #tpu.core_type<sc_vector_subcore>, window_params = [{transform_indices = #map}, {transform_indices = #map1}, {transform_indices = #map}]} {
    %mul3A = arith.constant 2 : i32
    %mul3A_0 = arith.muli %arg1, %mul3A : i32
    %add3A = arith.addi %mul3A_0, %arg0 : i32
    %mul3A_1 = arith.constant 512 : i32
    %mul3A_2 = arith.muli %add3A, %mul3A_1 : i32
    "tpu.region"() ({
      %run_scoped3A = tpu.sem_alloc : memref<!tpu.dma_semaphore, #tpu.memory_space<semaphore_mem>>
      %dma_start3A_65 = tpu.memref_slice %arg3[%mul3A_2] : memref<16384xi32, #tpu.memory_space<hbm>> -> memref<512xi32, #tpu.memory_space<hbm>>
      %dma_start3A_66 = tpu.memref_slice %arg3[%mul3A_2] : memref<16384xi32, #tpu.memory_space<hbm>> -> memref<512xi32, #tpu.memory_space<hbm>>
      tpu.enqueue_dma source(%dma_start3A_66 : memref<512xi32, #tpu.memory_space<hbm>>) target(%arg5 : memref<512xi32, #tpu.memory_space<vmem>>) target_semaphore(%run_scoped3A : memref<!tpu.dma_semaphore, #tpu.memory_space<semaphore_mem>>)
      %dma_wait3A_67 = tpu.memref_slice %arg3[%mul3A_2] : memref<16384xi32, #tpu.memory_space<hbm>> -> memref<512xi32, #tpu.memory_space<hbm>>
      %dma_wait3A_68 = tpu.memref_slice %arg3[%mul3A_2] : memref<16384xi32, #tpu.memory_space<hbm>> -> memref<512xi32, #tpu.memory_space<hbm>>
      tpu.wait_dma2 semaphore(%run_scoped3A : memref<!tpu.dma_semaphore, #tpu.memory_space<semaphore_mem>>) src(%dma_wait3A_68 : memref<512xi32, #tpu.memory_space<hbm>>) dst(%arg5 : memref<512xi32, #tpu.memory_space<vmem>>)
      tpu.yield
    }) : () -> ()
    %dma_start3A = arith.constant 0 : i32
    %dma_start3A_3 = arith.constant 0 : i32
    %dma_start3A_4 = tpu.memref_slice %arg6[%dma_start3A, %dma_start3A_3] : memref<512x128xf32, #tpu.memory_space<vmem>> -> memref<128x128xf32, #tpu.memory_space<vmem>>
    %dma_start3A_5 = arith.constant 0 : i32
    %dma_start3A_6 = tpu.memref_slice %arg5[%dma_start3A_5] : memref<512xi32, #tpu.memory_space<vmem>> -> memref<128xi32, #tpu.memory_space<vmem>>
    %dma_start3A_7 = arith.constant 0 : i32
    %dma_start3A_8 = arith.constant 0 : i32
    %dma_start3A_9 = tpu.memref_slice %arg2[%dma_start3A_7, %dma_start3A_8] : memref<100000x128xf32, #tpu.memory_space<hbm>> -> memref<100000x128xf32, #tpu.memory_space<hbm>>
    tpu.enqueue_indirect_dma source(%dma_start3A_9 : memref<100000x128xf32, #tpu.memory_space<hbm>>) target(%dma_start3A_4 : memref<128x128xf32, #tpu.memory_space<vmem>>) offsets(%dma_start3A_6 : memref<128xi32, #tpu.memory_space<vmem>>) semaphore(%arg7 : memref<!tpu.dma_semaphore, #tpu.memory_space<semaphore_mem>>)
    %dma_start3A_10 = arith.constant 128 : i32
    %dma_start3A_11 = arith.constant 0 : i32
    %dma_start3A_12 = tpu.memref_slice %arg6[%dma_start3A_10, %dma_start3A_11] : memref<512x128xf32, #tpu.memory_space<vmem>> -> memref<128x128xf32, #tpu.memory_space<vmem>>
    %dma_start3A_13 = arith.constant 128 : i32
    %dma_start3A_14 = tpu.memref_slice %arg5[%dma_start3A_13] : memref<512xi32, #tpu.memory_space<vmem>> -> memref<128xi32, #tpu.memory_space<vmem>>
    %dma_start3A_15 = arith.constant 0 : i32
    %dma_start3A_16 = arith.constant 0 : i32
    %dma_start3A_17 = tpu.memref_slice %arg2[%dma_start3A_15, %dma_start3A_16] : memref<100000x128xf32, #tpu.memory_space<hbm>> -> memref<100000x128xf32, #tpu.memory_space<hbm>>
    tpu.enqueue_indirect_dma source(%dma_start3A_17 : memref<100000x128xf32, #tpu.memory_space<hbm>>) target(%dma_start3A_12 : memref<128x128xf32, #tpu.memory_space<vmem>>) offsets(%dma_start3A_14 : memref<128xi32, #tpu.memory_space<vmem>>) semaphore(%arg7 : memref<!tpu.dma_semaphore, #tpu.memory_space<semaphore_mem>>)
    %dma_start3A_18 = arith.constant 256 : i32
    %dma_start3A_19 = arith.constant 0 : i32
    %dma_start3A_20 = tpu.memref_slice %arg6[%dma_start3A_18, %dma_start3A_19] : memref<512x128xf32, #tpu.memory_space<vmem>> -> memref<128x128xf32, #tpu.memory_space<vmem>>
    %dma_start3A_21 = arith.constant 256 : i32
    %dma_start3A_22 = tpu.memref_slice %arg5[%dma_start3A_21] : memref<512xi32, #tpu.memory_space<vmem>> -> memref<128xi32, #tpu.memory_space<vmem>>
    %dma_start3A_23 = arith.constant 0 : i32
    %dma_start3A_24 = arith.constant 0 : i32
    %dma_start3A_25 = tpu.memref_slice %arg2[%dma_start3A_23, %dma_start3A_24] : memref<100000x128xf32, #tpu.memory_space<hbm>> -> memref<100000x128xf32, #tpu.memory_space<hbm>>
    tpu.enqueue_indirect_dma source(%dma_start3A_25 : memref<100000x128xf32, #tpu.memory_space<hbm>>) target(%dma_start3A_20 : memref<128x128xf32, #tpu.memory_space<vmem>>) offsets(%dma_start3A_22 : memref<128xi32, #tpu.memory_space<vmem>>) semaphore(%arg7 : memref<!tpu.dma_semaphore, #tpu.memory_space<semaphore_mem>>)
    %dma_start3A_26 = arith.constant 384 : i32
    %dma_start3A_27 = arith.constant 0 : i32
    %dma_start3A_28 = tpu.memref_slice %arg6[%dma_start3A_26, %dma_start3A_27] : memref<512x128xf32, #tpu.memory_space<vmem>> -> memref<128x128xf32, #tpu.memory_space<vmem>>
    %dma_start3A_29 = arith.constant 384 : i32
    %dma_start3A_30 = tpu.memref_slice %arg5[%dma_start3A_29] : memref<512xi32, #tpu.memory_space<vmem>> -> memref<128xi32, #tpu.memory_space<vmem>>
    %dma_start3A_31 = arith.constant 0 : i32
    %dma_start3A_32 = arith.constant 0 : i32
    %dma_start3A_33 = tpu.memref_slice %arg2[%dma_start3A_31, %dma_start3A_32] : memref<100000x128xf32, #tpu.memory_space<hbm>> -> memref<100000x128xf32, #tpu.memory_space<hbm>>
    tpu.enqueue_indirect_dma source(%dma_start3A_33 : memref<100000x128xf32, #tpu.memory_space<hbm>>) target(%dma_start3A_28 : memref<128x128xf32, #tpu.memory_space<vmem>>) offsets(%dma_start3A_30 : memref<128xi32, #tpu.memory_space<vmem>>) semaphore(%arg7 : memref<!tpu.dma_semaphore, #tpu.memory_space<semaphore_mem>>)
    %dma_wait3A = arith.constant 0 : i32
    %dma_wait3A_34 = arith.constant 0 : i32
    %dma_wait3A_35 = tpu.memref_slice %arg6[%dma_wait3A, %dma_wait3A_34] : memref<512x128xf32, #tpu.memory_space<vmem>> -> memref<128x128xf32, #tpu.memory_space<vmem>>
    %dma_wait3A_36 = arith.constant 0 : i32
    %dma_wait3A_37 = tpu.memref_slice %arg5[%dma_wait3A_36] : memref<512xi32, #tpu.memory_space<vmem>> -> memref<128xi32, #tpu.memory_space<vmem>>
    %dma_wait3A_38 = arith.constant 0 : i32
    %dma_wait3A_39 = arith.constant 0 : i32
    %dma_wait3A_40 = tpu.memref_slice %arg2[%dma_wait3A_38, %dma_wait3A_39] : memref<100000x128xf32, #tpu.memory_space<hbm>> -> memref<100000x128xf32, #tpu.memory_space<hbm>>
    tpu.wait_indirect_dma semaphore(%arg7 : memref<!tpu.dma_semaphore, #tpu.memory_space<semaphore_mem>>) src(%dma_wait3A_40 : memref<100000x128xf32, #tpu.memory_space<hbm>>) dst(%dma_wait3A_35 : memref<128x128xf32, #tpu.memory_space<vmem>>)
    %dma_wait3A_41 = arith.constant 128 : i32
    %dma_wait3A_42 = arith.constant 0 : i32
    %dma_wait3A_43 = tpu.memref_slice %arg6[%dma_wait3A_41, %dma_wait3A_42] : memref<512x128xf32, #tpu.memory_space<vmem>> -> memref<128x128xf32, #tpu.memory_space<vmem>>
    %dma_wait3A_44 = arith.constant 128 : i32
    %dma_wait3A_45 = tpu.memref_slice %arg5[%dma_wait3A_44] : memref<512xi32, #tpu.memory_space<vmem>> -> memref<128xi32, #tpu.memory_space<vmem>>
    %dma_wait3A_46 = arith.constant 0 : i32
    %dma_wait3A_47 = arith.constant 0 : i32
    %dma_wait3A_48 = tpu.memref_slice %arg2[%dma_wait3A_46, %dma_wait3A_47] : memref<100000x128xf32, #tpu.memory_space<hbm>> -> memref<100000x128xf32, #tpu.memory_space<hbm>>
    tpu.wait_indirect_dma semaphore(%arg7 : memref<!tpu.dma_semaphore, #tpu.memory_space<semaphore_mem>>) src(%dma_wait3A_48 : memref<100000x128xf32, #tpu.memory_space<hbm>>) dst(%dma_wait3A_43 : memref<128x128xf32, #tpu.memory_space<vmem>>)
    %dma_wait3A_49 = arith.constant 256 : i32
    %dma_wait3A_50 = arith.constant 0 : i32
    %dma_wait3A_51 = tpu.memref_slice %arg6[%dma_wait3A_49, %dma_wait3A_50] : memref<512x128xf32, #tpu.memory_space<vmem>> -> memref<128x128xf32, #tpu.memory_space<vmem>>
    %dma_wait3A_52 = arith.constant 256 : i32
    %dma_wait3A_53 = tpu.memref_slice %arg5[%dma_wait3A_52] : memref<512xi32, #tpu.memory_space<vmem>> -> memref<128xi32, #tpu.memory_space<vmem>>
    %dma_wait3A_54 = arith.constant 0 : i32
    %dma_wait3A_55 = arith.constant 0 : i32
    %dma_wait3A_56 = tpu.memref_slice %arg2[%dma_wait3A_54, %dma_wait3A_55] : memref<100000x128xf32, #tpu.memory_space<hbm>> -> memref<100000x128xf32, #tpu.memory_space<hbm>>
    tpu.wait_indirect_dma semaphore(%arg7 : memref<!tpu.dma_semaphore, #tpu.memory_space<semaphore_mem>>) src(%dma_wait3A_56 : memref<100000x128xf32, #tpu.memory_space<hbm>>) dst(%dma_wait3A_51 : memref<128x128xf32, #tpu.memory_space<vmem>>)
    %dma_wait3A_57 = arith.constant 384 : i32
    %dma_wait3A_58 = arith.constant 0 : i32
    %dma_wait3A_59 = tpu.memref_slice %arg6[%dma_wait3A_57, %dma_wait3A_58] : memref<512x128xf32, #tpu.memory_space<vmem>> -> memref<128x128xf32, #tpu.memory_space<vmem>>
    %dma_wait3A_60 = arith.constant 384 : i32
    %dma_wait3A_61 = tpu.memref_slice %arg5[%dma_wait3A_60] : memref<512xi32, #tpu.memory_space<vmem>> -> memref<128xi32, #tpu.memory_space<vmem>>
    %dma_wait3A_62 = arith.constant 0 : i32
    %dma_wait3A_63 = arith.constant 0 : i32
    %dma_wait3A_64 = tpu.memref_slice %arg2[%dma_wait3A_62, %dma_wait3A_63] : memref<100000x128xf32, #tpu.memory_space<hbm>> -> memref<100000x128xf32, #tpu.memory_space<hbm>>
    tpu.wait_indirect_dma semaphore(%arg7 : memref<!tpu.dma_semaphore, #tpu.memory_space<semaphore_mem>>) src(%dma_wait3A_64 : memref<100000x128xf32, #tpu.memory_space<hbm>>) dst(%dma_wait3A_59 : memref<128x128xf32, #tpu.memory_space<vmem>>)
    "tpu.region"() ({
      %run_scoped3A = tpu.sem_alloc : memref<!tpu.dma_semaphore, #tpu.memory_space<semaphore_mem>>
      %dma_start3A_65 = arith.constant 0 : i32
      %dma_start3A_66 = tpu.memref_slice %arg4[%mul3A_2, %dma_start3A_65] : memref<16384x128xf32, #tpu.memory_space<hbm>> -> memref<512x128xf32, #tpu.memory_space<hbm>>
      %dma_start3A_67 = arith.constant 0 : i32
      %dma_start3A_68 = tpu.memref_slice %arg4[%mul3A_2, %dma_start3A_67] : memref<16384x128xf32, #tpu.memory_space<hbm>> -> memref<512x128xf32, #tpu.memory_space<hbm>>
      tpu.enqueue_dma source(%arg6 : memref<512x128xf32, #tpu.memory_space<vmem>>) target(%dma_start3A_68 : memref<512x128xf32, #tpu.memory_space<hbm>>) target_semaphore(%run_scoped3A : memref<!tpu.dma_semaphore, #tpu.memory_space<semaphore_mem>>)
      %dma_wait3A_69 = arith.constant 0 : i32
      %dma_wait3A_70 = tpu.memref_slice %arg4[%mul3A_2, %dma_wait3A_69] : memref<16384x128xf32, #tpu.memory_space<hbm>> -> memref<512x128xf32, #tpu.memory_space<hbm>>
      %dma_wait3A_71 = arith.constant 0 : i32
      %dma_wait3A_72 = tpu.memref_slice %arg4[%mul3A_2, %dma_wait3A_71] : memref<16384x128xf32, #tpu.memory_space<hbm>> -> memref<512x128xf32, #tpu.memory_space<hbm>>
      tpu.wait_dma2 semaphore(%run_scoped3A : memref<!tpu.dma_semaphore, #tpu.memory_space<semaphore_mem>>) src(%arg6 : memref<512x128xf32, #tpu.memory_space<vmem>>) dst(%dma_wait3A_72 : memref<512x128xf32, #tpu.memory_space<hbm>>)
      tpu.yield
    }) : () -> ()
    return
  }
}

module attributes {stable_mosaic.version = 14 : i64} {
  func.func @_topk_body(%arg0: i32, %arg1: memref<1024x128xf32, #tpu.memory_space<vmem>>, %arg2: memref<2048x128xf32, #tpu.memory_space<vmem>>, %arg3: memref<16x1024xf32, #tpu.memory_space<vmem>>, %arg4: memref<16x1024xi32, #tpu.memory_space<vmem>>, %arg5: memref<16x1024xf32, #tpu.memory_space<vmem>>, %arg6: memref<16x1024xi32, #tpu.memory_space<vmem>>, %arg7: memref<1024x2048xf32, #tpu.memory_space<vmem>>) attributes {dimension_semantics = [#tpu.dimension_semantics<arbitrary>], iteration_bounds = array<i64: 49>, scalar_prefetch = 0 : i64, scratch_operands = 3 : i64, tpu.core_type = #tpu.core_type<tc>, window_params = [{pipeline_mode = #tpu.pipeline_mode<synchronous>, transform_indices = @transform_0, window_bounds = array<i64: 1024, 128>}, {transform_indices = @transform_1, window_bounds = array<i64: 2048, 128>}, {pipeline_mode = #tpu.pipeline_mode<synchronous>, transform_indices = @transform_2, window_bounds = array<i64: 16, 1024>}, {pipeline_mode = #tpu.pipeline_mode<synchronous>, transform_indices = @transform_3, window_bounds = array<i64: 16, 1024>}]} {
    %iota3A = tpu.iota {dimensions = array<i32: 0>} : vector<16x1024xi32>
    %eq3A = arith.constant 0 : i32
    %eq3A_0 = arith.cmpi eq, %arg0, %eq3A : i32
    %convert_element_type3A = arith.extui %eq3A_0 : i1 to i32
    %cond3A = arith.constant 0 : i32
    %cond3A_1 = arith.cmpi ne, %convert_element_type3A, %cond3A : i32
    scf.if %cond3A_1 {
      %lt3A_54 = arith.constant 10 : i32
      %lt3A_55 = vector.broadcast %lt3A_54 : i32 to vector<16x1024xi32>
      %lt3A_56 = arith.cmpi slt, %iota3A, %lt3A_55 : vector<16x1024xi32>
      %jit3A_57 = arith.constant -1.000000e+30 : f32
      %jit3A_58 = arith.constant 1.000000e+30 : f32
      %broadcast_in_dim3A_59 = vector.broadcast %jit3A_57 : f32 to vector<16x1024xf32>
      %broadcast_in_dim3A_60 = vector.broadcast %jit3A_58 : f32 to vector<16x1024xf32>
      %select_n3A_61 = arith.select %lt3A_56, %broadcast_in_dim3A_59, %broadcast_in_dim3A_60 : vector<16x1024xi1>, vector<16x1024xf32>
      %swap3A_62 = arith.constant 0 : index
      %swap3A_63 = arith.constant 0 : index
      %swap3A_64 = vector.load %arg5[%swap3A_62, %swap3A_63] : memref<16x1024xf32, #tpu.memory_space<vmem>>, vector<16x1024xf32>
      tpu.vector_store %arg5[%swap3A_62, %swap3A_63], %select_n3A_61 {strides = array<i32>} : memref<16x1024xf32, #tpu.memory_space<vmem>>, vector<16x1024xf32>,
      %broadcast_in_dim3A_65 = arith.constant 0 : i32
      %broadcast_in_dim3A_66 = vector.broadcast %broadcast_in_dim3A_65 : i32 to vector<16x1024xi32>
      %swap3A_67 = arith.constant 0 : index
      %swap3A_68 = arith.constant 0 : index
      %swap3A_69 = vector.load %arg6[%swap3A_67, %swap3A_68] : memref<16x1024xi32, #tpu.memory_space<vmem>>, vector<16x1024xi32>
      tpu.vector_store %arg6[%swap3A_67, %swap3A_68], %broadcast_in_dim3A_66 {strides = array<i32>} : memref<16x1024xi32, #tpu.memory_space<vmem>>, vector<16x1024xi32>,
    } else {
    }
    %get3A = arith.constant 0 : index
    %get3A_2 = arith.constant 0 : index
    %get3A_3 = vector.load %arg1[%get3A, %get3A_2] : memref<1024x128xf32, #tpu.memory_space<vmem>>, vector<1024x128xf32>
    %mul3A = arith.mulf %get3A_3, %get3A_3 : vector<1024x128xf32>
    %reduce_sum3A = arith.constant dense<0.000000e+00> : vector<1024xf32>
    %reduce_sum3A_4 = vector.multi_reduction <add>, %mul3A, %reduce_sum3A [1] : vector<1024x128xf32> to vector<1024xf32>
    %broadcast_in_dim3A = vector.shape_cast %reduce_sum3A_4 : vector<1024xf32> to vector<1024x1xf32>
    %sqrt3A = math.sqrt %broadcast_in_dim3A : vector<1024x1xf32>
    %add3A = arith.constant 9.99999993E-9 : f32
    %add3A_5 = vector.broadcast %add3A : f32 to vector<1024x1xf32>
    %add3A_6 = arith.addf %sqrt3A, %add3A_5 : vector<1024x1xf32>
    %div3A = vector.broadcast %add3A_6 : vector<1024x1xf32> to vector<1024x128xf32>
    %div3A_7 = arith.divf %get3A_3, %div3A : vector<1024x128xf32>
    %get3A_8 = arith.constant 0 : index
    %get3A_9 = arith.constant 0 : index
    %get3A_10 = vector.load %arg2[%get3A_8, %get3A_9] : memref<2048x128xf32, #tpu.memory_space<vmem>>, vector<2048x128xf32>
    %mul3A_11 = arith.mulf %get3A_10, %get3A_10 : vector<2048x128xf32>
    %reduce_sum3A_12 = arith.constant dense<0.000000e+00> : vector<2048xf32>
    %reduce_sum3A_13 = vector.multi_reduction <add>, %mul3A_11, %reduce_sum3A_12 [1] : vector<2048x128xf32> to vector<2048xf32>
    %broadcast_in_dim3A_14 = vector.shape_cast %reduce_sum3A_13 : vector<2048xf32> to vector<2048x1xf32>
    %sqrt3A_15 = math.sqrt %broadcast_in_dim3A_14 : vector<2048x1xf32>
    %add3A_16 = arith.constant 9.99999993E-9 : f32
    %add3A_17 = vector.broadcast %add3A_16 : f32 to vector<2048x1xf32>
    %add3A_18 = arith.addf %sqrt3A_15, %add3A_17 : vector<2048x1xf32>
    %div3A_19 = vector.broadcast %add3A_18 : vector<2048x1xf32> to vector<2048x128xf32>
    %div3A_20 = arith.divf %get3A_10, %div3A_19 : vector<2048x128xf32>
    %dot_general3A = arith.constant dense<0.000000e+00> : vector<1024x2048xf32>
    %dot_general3A_21 = tpu.matmul %div3A_7, %div3A_20, %dot_general3A {dimension_numbers = #tpu.dot_dimension_numbers<[1], [1], [0], [0], [0, 0, 1, 0], [], []>, transpose_lhs_hint = false} : vector<1024x128xf32>, vector<2048x128xf32>, vector<1024x2048xf32> -> vector<1024x2048xf32>
    %iota3A_22 = tpu.iota {dimensions = array<i32: 1>} : vector<1024x2048xi32>
    %mul3A_23 = arith.constant 2048 : i32
    %mul3A_24 = arith.muli %arg0, %mul3A_23 : i32
    %add3A_25 = vector.broadcast %mul3A_24 : i32 to vector<1024x2048xi32>
    %add3A_26 = arith.addi %iota3A_22, %add3A_25 : vector<1024x2048xi32>
    %lt3A = arith.constant 100000 : i32
    %lt3A_27 = vector.broadcast %lt3A : i32 to vector<1024x2048xi32>
    %lt3A_28 = arith.cmpi slt, %add3A_26, %lt3A_27 : vector<1024x2048xi32>
    %jit3A = arith.constant -1.000000e+30 : f32
    %broadcast_in_dim3A_29 = vector.broadcast %jit3A : f32 to vector<1024x2048xf32>
    %select_n3A = arith.select %lt3A_28, %dot_general3A_21, %broadcast_in_dim3A_29 : vector<1024x2048xi1>, vector<1024x2048xf32>
    %swap3A = arith.constant 0 : index
    %swap3A_30 = arith.constant 0 : index
    %swap3A_31 = vector.load %arg7[%swap3A, %swap3A_30] : memref<1024x2048xf32, #tpu.memory_space<vmem>>, vector<1024x2048xf32>
    tpu.vector_store %arg7[%swap3A, %swap3A_30], %select_n3A {strides = array<i32>} : memref<1024x2048xf32, #tpu.memory_space<vmem>>, vector<1024x2048xf32>,
    %reduce_max3A = arith.constant dense<0xFF800000> : vector<1024xf32>
    %reduce_max3A_32 = vector.multi_reduction <maximumf>, %select_n3A, %reduce_max3A [1] : vector<1024x2048xf32> to vector<1024xf32>
    %get3A_33 = arith.constant 0 : index
    %get3A_34 = arith.constant 0 : index
    %get3A_35 = vector.load %arg5[%get3A_33, %get3A_34] : memref<16x1024xf32, #tpu.memory_space<vmem>>, vector<16x1024xf32>
    %reduce_min3A = arith.constant dense<0x7F800000> : vector<1024xf32>
    %reduce_min3A_36 = vector.multi_reduction <minimumf>, %get3A_35, %reduce_min3A [0] : vector<16x1024xf32> to vector<1024xf32>
    %gt3A = arith.cmpf ogt, %reduce_max3A_32, %reduce_min3A_36 : vector<1024xf32>
    %reduce_or3A = arith.constant 1.000000e+00 : f32
    %reduce_or3A_37 = arith.constant 0.000000e+00 : f32
    %reduce_or3A_38 = vector.broadcast %reduce_or3A : f32 to vector<1024xf32>
    %reduce_or3A_39 = vector.broadcast %reduce_or3A_37 : f32 to vector<1024xf32>
    %reduce_or3A_40 = arith.select %gt3A, %reduce_or3A_38, %reduce_or3A_39 : vector<1024xi1>, vector<1024xf32>
    %reduce_or3A_41 = vector.shape_cast %reduce_or3A_40 : vector<1024xf32> to vector<1x1024xf32>
    %reduce_or3A_42 = arith.constant dense<0xFF800000> : vector<1xf32>
    %reduce_or3A_43 = vector.multi_reduction <maximumf>, %reduce_or3A_41, %reduce_or3A_42 [1] : vector<1x1024xf32> to vector<1xf32>
    %reduce_or3A_44 = vector.shape_cast %reduce_or3A_43 : vector<1xf32> to vector<1x1xf32>
    %reduce_or3A_45 = vector.extract %reduce_or3A_44[0, 0] : f32 from vector<1x1xf32>
    %reduce_or3A_46 = arith.constant 0.000000e+00 : f32
    %reduce_or3A_47 = arith.cmpf ogt, %reduce_or3A_45, %reduce_or3A_46 : f32
    %while3A = arith.constant 0 : i32
    %while3A_48:3 = scf.while (%while3A_54 = %while3A, %while3A_55 = %reduce_max3A_32, %while3A_56 = %reduce_or3A_47) : (i32, vector<1024xf32>, i1) -> (i32, vector<1024xf32>, i1) {
      %lt3A_57 = arith.constant 10 : i32
      %lt3A_58 = arith.cmpi slt, %while3A_54, %lt3A_57 : i32
      %and3A = arith.andi %lt3A_58, %while3A_56 : i1
      scf.condition(%and3A) %while3A_54, %while3A_55, %while3A_56 : i32, vector<1024xf32>, i1
    } do {
    ^bb0(%while3A_54: i32, %while3A_55: vector<1024xf32>, %while3A_56: i1):
      %get3A_57 = arith.constant 0 : index
      %get3A_58 = arith.constant 0 : index
      %get3A_59 = vector.load %arg7[%get3A_57, %get3A_58] : memref<1024x2048xf32, #tpu.memory_space<vmem>>, vector<1024x2048xf32>
      %argmax3A = tpu.reduce_index %get3A_59 {axis = 1 : i32, kind = #tpu.reduction_kind<arg_max>} : vector<1024x2048xf32> -> vector<1024xi32>
      %broadcast_in_dim3A_60 = vector.shape_cast %argmax3A : vector<1024xi32> to vector<1024x1xi32>
      %eq3A_61 = vector.broadcast %broadcast_in_dim3A_60 : vector<1024x1xi32> to vector<1024x2048xi32>
      %eq3A_62 = arith.cmpi eq, %iota3A_22, %eq3A_61 : vector<1024x2048xi32>
      %jit3A_63 = arith.constant -1.000000e+30 : f32
      %broadcast_in_dim3A_64 = vector.broadcast %jit3A_63 : f32 to vector<1024x2048xf32>
      %select_n3A_65 = arith.select %eq3A_62, %broadcast_in_dim3A_64, %get3A_59 : vector<1024x2048xi1>, vector<1024x2048xf32>
      %swap3A_66 = arith.constant 0 : index
      %swap3A_67 = arith.constant 0 : index
      %swap3A_68 = vector.load %arg7[%swap3A_66, %swap3A_67] : memref<1024x2048xf32, #tpu.memory_space<vmem>>, vector<1024x2048xf32>
      tpu.vector_store %arg7[%swap3A_66, %swap3A_67], %select_n3A_65 {strides = array<i32>} : memref<1024x2048xf32, #tpu.memory_space<vmem>>, vector<1024x2048xf32>,
      %reduce_max3A_69 = arith.constant dense<0xFF800000> : vector<1024xf32>
      %reduce_max3A_70 = vector.multi_reduction <maximumf>, %select_n3A_65, %reduce_max3A_69 [1] : vector<1024x2048xf32> to vector<1024xf32>
      %get3A_71 = arith.constant 0 : index
      %get3A_72 = arith.constant 0 : index
      %get3A_73 = vector.load %arg5[%get3A_71, %get3A_72] : memref<16x1024xf32, #tpu.memory_space<vmem>>, vector<16x1024xf32>
      %reduce_min3A_74 = arith.constant dense<0x7F800000> : vector<1024xf32>
      %reduce_min3A_75 = vector.multi_reduction <minimumf>, %get3A_73, %reduce_min3A_74 [0] : vector<16x1024xf32> to vector<1024xf32>
      %gt3A_76 = arith.cmpf ogt, %while3A_55, %reduce_min3A_75 : vector<1024xf32>
      %broadcast_in_dim3A_77 = vector.shape_cast %reduce_min3A_75 : vector<1024xf32> to vector<1x1024xf32>
      %eq3A_78 = vector.broadcast %broadcast_in_dim3A_77 : vector<1x1024xf32> to vector<16x1024xf32>
      %eq3A_79 = arith.cmpf oeq, %get3A_73, %eq3A_78 : vector<16x1024xf32>
      %jit3A_80 = arith.constant 17 : i32
      %broadcast_in_dim3A_81 = vector.broadcast %jit3A_80 : i32 to vector<16x1024xi32>
      %select_n3A_82 = arith.select %eq3A_79, %iota3A, %broadcast_in_dim3A_81 : vector<16x1024xi1>, vector<16x1024xi32>
      %reduce_min3A_83 = arith.constant dense<2147483647> : vector<1024xi32>
      %reduce_min3A_84 = vector.multi_reduction <minsi>, %select_n3A_82, %reduce_min3A_83 [0] : vector<16x1024xi32> to vector<1024xi32>
      %broadcast_in_dim3A_85 = vector.shape_cast %reduce_min3A_84 : vector<1024xi32> to vector<1x1024xi32>
      %eq3A_86 = vector.broadcast %broadcast_in_dim3A_85 : vector<1x1024xi32> to vector<16x1024xi32>
      %eq3A_87 = arith.cmpi eq, %iota3A, %eq3A_86 : vector<16x1024xi32>
      %broadcast_in_dim3A_88 = vector.shape_cast %gt3A_76 : vector<1024xi1> to vector<1x1024xi1>
      %and3A = vector.broadcast %broadcast_in_dim3A_88 : vector<1x1024xi1> to vector<16x1024xi1>
      %and3A_89 = arith.andi %eq3A_87, %and3A : vector<16x1024xi1>
      %broadcast_in_dim3A_90 = vector.shape_cast %while3A_55 : vector<1024xf32> to vector<1x1024xf32>
      %broadcast_in_dim3A_91 = vector.shape_cast %broadcast_in_dim3A_90 : vector<1x1024xf32> to vector<1x1024xf32>
      %broadcast_in_dim3A_92 = vector.broadcast %broadcast_in_dim3A_91 : vector<1x1024xf32> to vector<16x1024xf32>
      %select_n3A_93 = arith.select %and3A_89, %broadcast_in_dim3A_92, %get3A_73 : vector<16x1024xi1>, vector<16x1024xf32>
      %swap3A_94 = arith.constant 0 : index
      %swap3A_95 = arith.constant 0 : index
      %swap3A_96 = vector.load %arg5[%swap3A_94, %swap3A_95] : memref<16x1024xf32, #tpu.memory_space<vmem>>, vector<16x1024xf32>
      tpu.vector_store %arg5[%swap3A_94, %swap3A_95], %select_n3A_93 {strides = array<i32>} : memref<16x1024xf32, #tpu.memory_space<vmem>>, vector<16x1024xf32>,
      %mul3A_97 = arith.constant 2048 : i32
      %mul3A_98 = arith.muli %arg0, %mul3A_97 : i32
      %add3A_99 = vector.broadcast %mul3A_98 : i32 to vector<1024xi32>
      %add3A_100 = arith.addi %argmax3A, %add3A_99 : vector<1024xi32>
      %broadcast_in_dim3A_101 = vector.shape_cast %add3A_100 : vector<1024xi32> to vector<1x1024xi32>
      %get3A_102 = arith.constant 0 : index
      %get3A_103 = arith.constant 0 : index
      %get3A_104 = vector.load %arg6[%get3A_102, %get3A_103] : memref<16x1024xi32, #tpu.memory_space<vmem>>, vector<16x1024xi32>
      %broadcast_in_dim3A_105 = vector.shape_cast %broadcast_in_dim3A_101 : vector<1x1024xi32> to vector<1x1024xi32>
      %broadcast_in_dim3A_106 = vector.broadcast %broadcast_in_dim3A_105 : vector<1x1024xi32> to vector<16x1024xi32>
      %select_n3A_107 = arith.select %and3A_89, %broadcast_in_dim3A_106, %get3A_104 : vector<16x1024xi1>, vector<16x1024xi32>
      %swap3A_108 = arith.constant 0 : index
      %swap3A_109 = arith.constant 0 : index
      %swap3A_110 = vector.load %arg6[%swap3A_108, %swap3A_109] : memref<16x1024xi32, #tpu.memory_space<vmem>>, vector<16x1024xi32>
      tpu.vector_store %arg6[%swap3A_108, %swap3A_109], %select_n3A_107 {strides = array<i32>} : memref<16x1024xi32, #tpu.memory_space<vmem>>, vector<16x1024xi32>,
      %reduce_min3A_111 = arith.constant dense<0x7F800000> : vector<1024xf32>
      %reduce_min3A_112 = vector.multi_reduction <minimumf>, %select_n3A_93, %reduce_min3A_111 [0] : vector<16x1024xf32> to vector<1024xf32>
      %gt3A_113 = arith.cmpf ogt, %reduce_max3A_70, %reduce_min3A_112 : vector<1024xf32>
      %reduce_or3A_114 = arith.constant 1.000000e+00 : f32
      %reduce_or3A_115 = arith.constant 0.000000e+00 : f32
      %reduce_or3A_116 = vector.broadcast %reduce_or3A_114 : f32 to vector<1024xf32>
      %reduce_or3A_117 = vector.broadcast %reduce_or3A_115 : f32 to vector<1024xf32>
      %reduce_or3A_118 = arith.select %gt3A_113, %reduce_or3A_116, %reduce_or3A_117 : vector<1024xi1>, vector<1024xf32>
      %reduce_or3A_119 = vector.shape_cast %reduce_or3A_118 : vector<1024xf32> to vector<1x1024xf32>
      %reduce_or3A_120 = arith.constant dense<0xFF800000> : vector<1xf32>
      %reduce_or3A_121 = vector.multi_reduction <maximumf>, %reduce_or3A_119, %reduce_or3A_120 [1] : vector<1x1024xf32> to vector<1xf32>
      %reduce_or3A_122 = vector.shape_cast %reduce_or3A_121 : vector<1xf32> to vector<1x1xf32>
      %reduce_or3A_123 = vector.extract %reduce_or3A_122[0, 0] : f32 from vector<1x1xf32>
      %reduce_or3A_124 = arith.constant 0.000000e+00 : f32
      %reduce_or3A_125 = arith.cmpf ogt, %reduce_or3A_123, %reduce_or3A_124 : f32
      %add3A_126 = arith.constant 1 : i32
      %add3A_127 = arith.addi %while3A_54, %add3A_126 : i32
      scf.yield %add3A_127, %reduce_max3A_70, %reduce_or3A_125 : i32, vector<1024xf32>, i1
    }
    %eq3A_49 = arith.constant 48 : i32
    %eq3A_50 = arith.cmpi eq, %arg0, %eq3A_49 : i32
    %convert_element_type3A_51 = arith.extui %eq3A_50 : i1 to i32
    %cond3A_52 = arith.constant 0 : i32
    %cond3A_53 = arith.cmpi ne, %convert_element_type3A_51, %cond3A_52 : i32
    scf.if %cond3A_53 {
      %get3A_54 = arith.constant 0 : index
      %get3A_55 = arith.constant 0 : index
      %get3A_56 = vector.load %arg5[%get3A_54, %get3A_55] : memref<16x1024xf32, #tpu.memory_space<vmem>>, vector<16x1024xf32>
      %lt3A_57 = arith.constant 10 : i32
      %lt3A_58 = vector.broadcast %lt3A_57 : i32 to vector<16x1024xi32>
      %lt3A_59 = arith.cmpi slt, %iota3A, %lt3A_58 : vector<16x1024xi32>
      %jit3A_60 = arith.constant -1.000000e+30 : f32
      %broadcast_in_dim3A_61 = vector.broadcast %jit3A_60 : f32 to vector<16x1024xf32>
      %select_n3A_62 = arith.select %lt3A_59, %get3A_56, %broadcast_in_dim3A_61 : vector<16x1024xi1>, vector<16x1024xf32>
      %reduce_max3A_63 = arith.constant dense<0xFF800000> : vector<1024xf32>
      %reduce_max3A_64 = vector.multi_reduction <maximumf>, %select_n3A_62, %reduce_max3A_63 [0] : vector<16x1024xf32> to vector<1024xf32>
      %broadcast_in_dim3A_65 = vector.shape_cast %reduce_max3A_64 : vector<1024xf32> to vector<1x1024xf32>
      %sub3A = vector.broadcast %broadcast_in_dim3A_65 : vector<1x1024xf32> to vector<16x1024xf32>
      %sub3A_66 = arith.subf %select_n3A_62, %sub3A : vector<16x1024xf32>
      %div3A_67 = arith.constant 5.000000e-01 : f32
      %div3A_68 = vector.broadcast %div3A_67 : f32 to vector<16x1024xf32>
      %div3A_69 = arith.divf %sub3A_66, %div3A_68 : vector<16x1024xf32>
      %exp3A = math.exp %div3A_69 : vector<16x1024xf32>
      %reduce_sum3A_70 = arith.constant dense<0.000000e+00> : vector<1024xf32>
      %reduce_sum3A_71 = vector.multi_reduction <add>, %exp3A, %reduce_sum3A_70 [0] : vector<16x1024xf32> to vector<1024xf32>
      %broadcast_in_dim3A_72 = vector.shape_cast %reduce_sum3A_71 : vector<1024xf32> to vector<1x1024xf32>
      %div3A_73 = vector.broadcast %broadcast_in_dim3A_72 : vector<1x1024xf32> to vector<16x1024xf32>
      %div3A_74 = arith.divf %exp3A, %div3A_73 : vector<16x1024xf32>
      %swap3A_75 = arith.constant 0 : index
      %swap3A_76 = arith.constant 0 : index
      %swap3A_77 = vector.load %arg3[%swap3A_75, %swap3A_76] : memref<16x1024xf32, #tpu.memory_space<vmem>>, vector<16x1024xf32>
      tpu.vector_store %arg3[%swap3A_75, %swap3A_76], %div3A_74 {strides = array<i32>} : memref<16x1024xf32, #tpu.memory_space<vmem>>, vector<16x1024xf32>,
      %get3A_78 = arith.constant 0 : index
      %get3A_79 = arith.constant 0 : index
      %get3A_80 = vector.load %arg6[%get3A_78, %get3A_79] : memref<16x1024xi32, #tpu.memory_space<vmem>>, vector<16x1024xi32>
      %swap3A_81 = arith.constant 0 : index
      %swap3A_82 = arith.constant 0 : index
      %swap3A_83 = vector.load %arg4[%swap3A_81, %swap3A_82] : memref<16x1024xi32, #tpu.memory_space<vmem>>, vector<16x1024xi32>
      tpu.vector_store %arg4[%swap3A_81, %swap3A_82], %get3A_80 {strides = array<i32>} : memref<16x1024xi32, #tpu.memory_space<vmem>>, vector<16x1024xi32>,
    } else {
    }
    return
  }
  func.func @transform_0(%arg0: i32) -> (i32, i32) {
    %c0_i32 = arith.constant 0 : i32
    %c0_i32_0 = arith.constant 0 : i32
    %c0_i32_1 = arith.constant 0 : i32
    return %c0_i32, %c0_i32_0 : i32, i32
  }
  func.func @transform_1(%arg0: i32) -> (i32, i32) {
    %c0_i32 = arith.constant 0 : i32
    %c0_i32_0 = arith.constant 0 : i32
    return %arg0, %c0_i32 : i32, i32
  }
  func.func @transform_2(%arg0: i32) -> (i32, i32) {
    %c0_i32 = arith.constant 0 : i32
    %c0_i32_0 = arith.constant 0 : i32
    %c0_i32_1 = arith.constant 0 : i32
    return %c0_i32, %c0_i32_0 : i32, i32
  }
  func.func @transform_3(%arg0: i32) -> (i32, i32) {
    %c0_i32 = arith.constant 0 : i32
    %c0_i32_0 = arith.constant 0 : i32
    %c0_i32_1 = arith.constant 0 : i32
    return %c0_i32, %c0_i32_0 : i32, i32
  }
}

module attributes {stable_mosaic.version = 14 : i64} {
  func.func @_combine_body(%arg0: memref<1024x128xf32, #tpu.memory_space<vmem>>, %arg1: memref<1024x16xf32, #tpu.memory_space<vmem>>, %arg2: memref<1024x16x128xf32, #tpu.memory_space<vmem>>, %arg3: memref<1024x128xf32, #tpu.memory_space<vmem>>) attributes {dimension_semantics = [], scalar_prefetch = 0 : i64, scratch_operands = 0 : i64, tpu.core_type = #tpu.core_type<tc>} {
    %get3A = arith.constant 0 : index
    %get3A_0 = arith.constant 0 : index
    %get3A_1 = vector.load %arg0[%get3A, %get3A_0] : memref<1024x128xf32, #tpu.memory_space<vmem>>, vector<1024x128xf32>
    %get3A_2 = arith.constant 0 : index
    %get3A_3 = arith.constant 0 : index
    %get3A_4 = vector.load %arg1[%get3A_2, %get3A_3] : memref<1024x16xf32, #tpu.memory_space<vmem>>, vector<1024x16xf32>
    %get3A_5 = arith.constant 0 : index
    %get3A_6 = arith.constant 0 : index
    %get3A_7 = arith.constant 0 : index
    %get3A_8 = vector.load %arg2[%get3A_5, %get3A_6, %get3A_7] : memref<1024x16x128xf32, #tpu.memory_space<vmem>>, vector<1024x16x128xf32>
    %broadcast_in_dim3A = vector.shape_cast %get3A_4 : vector<1024x16xf32> to vector<1024x16x1xf32>
    %mul3A = vector.broadcast %broadcast_in_dim3A : vector<1024x16x1xf32> to vector<1024x16x128xf32>
    %mul3A_9 = arith.mulf %get3A_8, %mul3A : vector<1024x16x128xf32>
    %reduce_sum3A = arith.constant dense<0.000000e+00> : vector<1024x128xf32>
    %reduce_sum3A_10 = vector.multi_reduction <add>, %mul3A_9, %reduce_sum3A [1] : vector<1024x16x128xf32> to vector<1024x128xf32>
    %mul3A_11 = arith.constant 0.699999988 : f32
    %mul3A_12 = vector.broadcast %mul3A_11 : f32 to vector<1024x128xf32>
    %mul3A_13 = arith.mulf %mul3A_12, %get3A_1 : vector<1024x128xf32>
    %mul3A_14 = arith.constant 3.000000e-01 : f32
    %mul3A_15 = vector.broadcast %mul3A_14 : f32 to vector<1024x128xf32>
    %mul3A_16 = arith.mulf %mul3A_15, %reduce_sum3A_10 : vector<1024x128xf32>
    %add3A = arith.addf %mul3A_13, %mul3A_16 : vector<1024x128xf32>
    %swap3A = arith.constant 0 : index
    %swap3A_17 = arith.constant 0 : index
    %swap3A_18 = vector.load %arg3[%swap3A, %swap3A_17] : memref<1024x128xf32, #tpu.memory_space<vmem>>, vector<1024x128xf32>
    tpu.vector_store %arg3[%swap3A, %swap3A_17], %add3A {strides = array<i32>} : memref<1024x128xf32, #tpu.memory_space<vmem>>, vector<1024x128xf32>,
    return
  }
}

</mosaic_0001>

<sc_bundles>
// kernel: kernel.5.cloned.1.call-start
scs
__scs_entry_jumppad:
0x0: {  	(pc) =	sbr.rel $0x88, $3  }
0x1: {  	(tag) =	ssettag $0x0;
	lr =	simm.s32 $0x1  }
0x2: {  	[smem:$0x3F9F] =	sst lr;
	_ =	strace $0xD0000000  }
0x3: {  	_ = 	snop  }
0x4: {  	_ = 	snop  }
0x5: {  	_ = 	snop  }
0x6: {  	_ = 	snop  }
0x7: {  	_ = 	snop  }
__scs_overlays_trampoline_lowered:
0x8: {  	[smem:$0x3FAE] =	sst s0  }
0x9: {  	[smem:$0x3FAF] =	sst s1  }
0xa: {  	[smem:$0x3FB0] =	sst s2  }
0xb: {  	[smem:$0x3FB1] =	sst s3  }
0xc: {  	[smem:$0x3FB2] =	sst s4  }
0xd: {  	[smem:$0x3FB3] =	sst s5  }
0xe: {  	[smem:$0x3FB4] =	sst s6  }
0xf: {  	[smem:$0x3FB5] =	sst s7  }
0x10: {  	[smem:$0x3FB6] =	sst s8  }
0x11: {  	[smem:$0x3FB7] =	sst s9;
	s0 =	simm.s32 @!p0 $0x0  }
0x12: {  	s1 =	sld [smem:$0x3F9D];
	s0 =	simm.s32 @p0 $0x1  }
0x13: {  	[smem:$0x3FB8] =	sst s0;
	s0 =	simm.s32 @!p1 $0x0  }
0x14: {  	s2 =	sld [smem:$0x3F9C];
	s0 =	simm.s32 @p1 $0x1  }
0x15: {  	[smem:$0x3FB9] =	sst s0;
	s0 =	simm.s32 @!p2 $0x0  }
0x16: {  	s3 =	sld [smem:$0x3FDB];
	s0 =	simm.s32 @p2 $0x1  }
0x17: {  	s4 =	simm.s32 $0x1BF5;
	[smem:$0x3FBB] =	sst s0  }
0x18: {  	s0 =	sld [smem:$0x3F9E];
	_ =	swait.ge [sflag:s4], $0x0  }
0x19: {  	s7 =	sld [smem:$0x3F9F]  }
0x1a: {  	s8 =	sadd.s32 $0xFFFFE003, lr  }
0x1b: {  	s9 =	sadd.s32 $0xFFFFFEF7, lr;
	s5 =	simm.s32 $0xFFFFFFFF;
	p2 =	slt.u32 s8, $0xFFFFF086  }
0x1c: {  	p1 =	slt.u32 s9, $0xF7A;
	s5 =	simm.s32 @!p2 $0x0  }
0x1d: {  	s5 =	simm.s32 @p1 $0x1;
	p0 =	seq.s32 s7, s2  }
0x1e: {  	s7 =	smul.u32 @!p0 $0xF7A, s2;
	p2 =	seq.s32 @!p0 s5, $0x0  }
0x1f: {  	s9 =	smul.u32 $0xF7A, s1;
	s8 =	simm.s32 @!p0 $0x1BF5;
	p2 =	por !p2, p0  }
0x20: {  	[sflag:s8] =	ssyncset.s32 @!p0 $0xFFFFF086;
	s6 =	sadd.s32 @!p0 s3, s7;
	s7 =	simm.s32 @!p0 $0x108  }
0x21: {  	s3 =	sadd.s32 s3, s9;
	s6 =	sadd.s32 @!p0 $0x88, s6;
	s7 =	simm.s32 @p2 $0x1082  }
0x22: {  	[simem:s7], [sflag:s8] =	dma.local @!p0 [hbm:s6], $0xF7A  }
0x23: {  	s9 =	sor.u32 $0xD0000000, s2;
	s6 =	simm.s32 $0x108;
	_ =	swait.ge @!p0 [sflag:s8], $0x0  }
0x24: {  	s3 =	sadd.s32 $0x88, s3;
	s6 =	simm.s32 @!p1 $0x1082;
	[sflag:s4] =	ssyncset.s32 $0xFFFFF086  }
0x25: {  	[simem:s6], [sflag:s4] =	dma.local [hbm:s3], $0xF7A  }
0x26: {  	[smem:$0x3F9F] =	sst s1;
	(tag) =	ssettag s2;
	_ =	strace s9  }
0x27: {  	s1 =	sld [smem:$0x3FAF]  }
0x28: {  	s2 =	sld [smem:$0x3FB0]  }
0x29: {  	s4 =	sld [smem:$0x3FB2]  }
0x2a: {  	p0 =	seq.s32 s5, $0x0;
	s5 =	sld [smem:$0x3FB3]  }
0x2b: {  	s6 =	sld [smem:$0x3FB4]  }
0x2c: {  	s7 =	sld [smem:$0x3FB5]  }
0x2d: {  	s3 =	simm.s32 $0x108;
	s8 =	sld [smem:$0x3FB6]  }
0x2e: {  	s3 =	simm.s32 @!p0 $0x1082;
	s9 =	sld [smem:$0x3FB7]  }
0x2f: {  	lr =	sadd.s32 s0, s3;
	s0 =	sld [smem:$0x3FAE]  }
0x30: {  	s3 =	sld [smem:$0x3FB1]  }
0x31: {  	[smem:$0x3FBA] =	sst s10  }
0x32: {  	s10 =	sld [smem:$0x3FB8];
	_ =	sdelay $0x3  }
0x33: {  	p0 =	seq.s32 s10, $0x1;
	s10 =	sld [smem:$0x3FBA];
	_ =	sdelay $0x3  }
0x34: {  	[smem:$0x3FBA] =	sst s10  }
0x35: {  	s10 =	sld [smem:$0x3FB9];
	_ =	sdelay $0x3  }
0x36: {  	p1 =	seq.s32 s10, $0x1;
	s10 =	sld [smem:$0x3FBA];
	_ =	sdelay $0x3  }
0x37: {  	[smem:$0x3FBA] =	sst s10  }
0x38: {  	s10 =	sld [smem:$0x3FBB]  }
0x39: {  	_ = 	snop;
	(pc) =	sbr.ind lr, $3  }
0x3a: {  	_ = 	snop  }
0x3b: {  	_ = 	snop  }
0x3c: {  	p2 =	seq.s32 s10, $0x1;
	s10 =	sld [smem:$0x3FBA]  }
0x3d: {  	_ =	shalt  }
0x3e: {  	_ =	shalt  }
0x3f: {  	_ =	shalt  }
0x40: {  	_ =	shalt  }
0x41: {  	_ =	shalt  }
0x42: {  	_ =	shalt  }
0x43: {  	_ =	shalt  }
0x44: {  	_ =	shalt  }
0x45: {  	_ =	shalt  }
0x46: {  	_ =	shalt  }
0x47: {  	_ =	shalt  }
0x48: {  	_ =	shalt  }
0x49: {  	_ =	shalt  }
0x4a: {  	_ =	shalt  }
0x4b: {  	_ =	shalt  }
0x4c: {  	_ =	shalt  }
0x4d: {  	_ =	shalt  }
0x4e: {  	_ =	shalt  }
0x4f: {  	_ =	shalt  }
0x50: {  	_ =	shalt  }
0x51: {  	_ =	shalt  }
0x52: {  	_ =	shalt  }
0x53: {  	_ =	shalt  }
0x54: {  	_ =	shalt  }
0x55: {  	_ =	shalt  }
0x56: {  	_ =	shalt  }
0x57: {  	_ =	shalt  }
0x58: {  	_ =	shalt  }
0x59: {  	_ =	shalt  }
0x5a: {  	_ =	shalt  }
0x5b: {  	_ =	shalt  }
0x5c: {  	_ =	shalt  }
0x5d: {  	_ =	shalt  }
0x5e: {  	_ =	shalt  }
0x5f: {  	_ =	shalt  }
0x60: {  	_ =	shalt  }
0x61: {  	_ =	shalt  }
0x62: {  	_ =	shalt  }
0x63: {  	_ =	shalt  }
0x64: {  	_ =	shalt  }
0x65: {  	_ =	shalt  }
0x66: {  	_ =	shalt  }
0x67: {  	_ =	shalt  }
0x68: {  	_ =	shalt  }
0x69: {  	_ =	shalt  }
0x6a: {  	_ =	shalt  }
0x6b: {  	_ =	shalt  }
0x6c: {  	_ =	shalt  }
0x6d: {  	_ =	shalt  }
0x6e: {  	_ =	shalt  }
0x6f: {  	_ =	shalt  }
0x70: {  	_ =	shalt  }
0x71: {  	_ =	shalt  }
0x72: {  	_ =	shalt  }
0x73: {  	_ =	shalt  }
0x74: {  	_ =	shalt  }
0x75: {  	_ =	shalt  }
0x76: {  	_ =	shalt  }
0x77: {  	_ =	shalt  }
0x78: {  	_ =	shalt  }
0x79: {  	_ =	shalt  }
0x7a: {  	_ =	shalt  }
0x7b: {  	_ =	shalt  }
0x7c: {  	_ =	shalt  }
0x7d: {  	_ =	shalt  }
0x7e: {  	_ =	shalt  }
0x7f: {  	_ =	shalt  }
0x80: {  	_ =	shalt  }
0x81: {  	_ =	shalt  }
0x82: {  	_ =	shalt  }
0x83: {  	_ =	shalt  }
0x84: {  	_ =	shalt  }
0x85: {  	_ =	shalt  }
0x86: {  	_ =	shalt  }
0x87: {  	_ =	shalt  }
.Lfunc_end0:
.L_simem_size_0:
called_computation_lowered:
.L_overlay_start_0:
0x88: {  	s2 =	sld [smem:$0x3FD9]  }
0x89: {  	s3 =	sld [smem:$0x3FFE];
	_ =	sdelay $0x1  }
0x8a: {  	s1 =	srdreg.scid  }
0x8b: {  	s0 =	sand.u32 $0x1, s1  }
0x8c: {  	s17 =	sshll.u32 s0, $0xA;
	s2 =	sadd.s32 s3, s2  }
0x8d: {  	s2 =	sadd.s32 s2, s17  }
0x8e: {  	[smem:$0x3FC6] =	sst s2  }
0x8f: {  	_ = 	snop  }
0x90: {  	s2 =	sld [smem:$0x3FC8]  }
0x91: {  	s18 =	sld [smem:$0x3FD0];
	(tm) =	ssettm $0x1  }
0x92: {  	s4 =	sld [smem:$0x3FFB];
	_ =	sdelay $0x3  }
0x93: {  	_ =	strace s4  }
0x94: {  	s4 =	sld [smem:$0x3FFC];
	_ =	sdelay $0x3  }
0x95: {  	_ =	strace s4  }
0x96: {  	s4 =	sld [smem:$0x3FFD];
	_ =	sdelay $0x3  }
0x97: {  	_ =	strace s4  }
0x98: {  	_ =	strace $0x8FFFFFFF  }
0x99: {  	s19 =	sld [smem:$0x3FDB];
	_ =	sdelay $0x1  }
0x9a: {  	s5 =	simm.s32 $_scs_section_size  }
0x9b: {  	s6 =	simm.s32 $_size__tile_overlayer_lowered;
	s7 =	simm.s32 $_tile_overlayer_lowered  }
0x9c: {  	s22 =	simm.s32 $0x1BFF;
	s21 =	sshll.u32 s7, $0x1;
	s4 =	sadd.s32 s5, s19  }
0x9d: {  	s8 =	simm.s32 $0x0;
	s20 =	sshll.u32 s6, $0x1;
	s6 =	sadd.s32 s21, s4  }
0x9e: {  	[timem:s8], [sflag:s22] =	dma.local [hbm:s6], s20  }
0x9f: {  	_ =	swait.ge [sflag:s22], s20  }
0xa0: {  	s5 =	ssub.s32 $0x0, s20;
	[sflag:s22] =	ssyncset.done $0x0  }
0xa1: {  	[sflag:s22] =	ssyncadd.s32 s5;
	_ =	sdelay $0x1  }
0xa2: {  	s23 =	simm.s32 $0x1B8B  }
0xa3: {  	_ =	swait.ge [sflag:s23], $0x1  }
0xa4: {  	[sflag:s23] =	ssyncset.done $0x0  }
0xa5: {  	s25 =	simm.s32 $0x1B8E;
	s24 =	sld [smem:$0x3FFE];
	[sflag:s23] =	ssyncadd.s32 $0xFFFFFFFF  }
0xa6: {  	s26 =	simm.s32 $execute0_lowered;
	[smem:$0x3FD2] =	sst s25  }
0xa7: {  	s6 =	sshll.u32 s26, $0x1;
	_ =	strace $0x80000046;
	[dreg:$0x1] =	wrdreg $0xFFFFFFFF  }
0xa8: {  	s28 =	simm.s32 $_size_execute0_lowered;
	s4 =	sadd.s32 s4, s6;
	[dreg:$0x0] =	wrdreg $0x0  }
0xa9: {  	s6 =	sshll.u32 s28, $0x1;
	[dreg:$0x2] =	wrdreg s4  }
0xaa: {  	[dreg:$0x3] =	wrdreg s6  }
0xab: {  	[dreg:$0x4] =	wrdreg $0xC0  }
0xac: {  	_ =	task [dreg:s8], $0x5FFFF  }
0xad: {  	[dreg:$0x1] =	wrdreg $0xFFFFFFFF  }
0xae: {  	[dreg:$0x0] =	wrdreg $0x60  }
0xaf: {  	[dreg:$0x2] =	wrdreg s2  }
0xb0: {  	[dreg:$0x3] =	wrdreg s18  }
0xb1: {  	[dreg:$0x4] =	wrdreg s24  }
0xb2: {  	[dreg:$0x5] =	wrdreg $0x9  }
0xb3: {  	_ =	task.clear_ibuf [dreg:s8], $0x6FFFF;
	_ =	strace $0x90000046  }
0xb4: {  	s29 =	simm.s32 $0x9;
	_ =	strace $0x80000048  }
0xb5: {  	_ =	swait.ge [sflag:s29], $0x1  }
0xb6: {  	[sflag:s29] =	ssyncadd.s32 $0xFFFFFFFF  }
0xb7: {  	_ =	strace $0x90000048  }
0xb8: {  	_ =	sfence  }
0xb9: {  	s30 =	sld [smem:$0x0];
	_ =	sdelay $0x2  }
0xba: {  	s31 =	sshll.u32 s1, $0xD;
	s1 =	sshrl.u32 s1, $0x2  }
0xbb: {  	s3 =	sand.u32 $0x4000, s31;
	s1 =	sadd.s32 s1, s30  }
0xbc: {  	s0 =	sor.u32 s3, s0;
	s1 =	sshll.u32 s1, $0x11  }
0xbd: {  	s0 =	sor.u32 s1, s0  }
0xbe: {  	s0 =	sadd.s32 $0x8F2B, s0  }
0xbf: {  	[sflag:s0] =	ssyncadd.remote.s32 $0x1  }
0xc0: {  	_ =	sfence.sel $0xFFFF  }
0xc1: {  	[dreg:$0x0] =	wrdreg $0xFFFFFFFF;
	(pc) =	sbr.abs _section_cstart, $3  }
0xc2: {  	[dreg:$0x1] =	wrdreg $0xFFFFFFFF  }
0xc3: {  	_ =	task.clear_ibuf [dreg:s8], $0x2FFFF;
	_ =	strace $0x9FFFFFFF  }
0xc4: {  	(tm) =	ssettm $0x7FFFFFFF  }
0xc5: {  	_ =	shalt  }
tec
execute0_lowered:
.L_overlay_start_1:
0x0: {  	(tag) =	ssettag $0x1  }
0x1: {  	s1 =	rddreg [dreg:$0x0];
	s2 =	srdreg.scid  }
0x2: {  	s4 =	rddreg [dreg:$0x1];
	s0 =	stileid.u32;
	s14 =	sand.u32 $0x1, s2  }
0x3: {  	s15 =	rddreg [dreg:$0x2];
	s5 =	sshll.u32 s0, $0xA;
	s6 =	sshll.u32 s14, $0x9  }
0x4: {  	s3 =	simm.s32 $0x0;
	s2 =	rddreg [dreg:$0x3];
	s16 =	sor.u32 s6, s5  }
0x5: {  	[smem:$0x7FF] =	sst s3;
	s5 =	sshrl.u32 s16, $0x3  }
0x6: {  	_ =	strace $0x80000047;
	s5 =	sadd.s32 s4, s5;
	s4 =	simm.s32 $0x2  }
0x7: {  	[tilespmem:s3], [sflag:$0x2] =	stream.linear.gather [hbm4b:s5+s3], $0x200, $0x38;
	[tilespmem:$0x10200] =	vst v63  }
0x8: {  	_ =	swait.ge [sflag:s4], $0x200  }
0x9: {  	[sflag:s4] =	ssyncset.done $0x0  }
0xa: {  	s7 =	simm.s32 $0x200;
	s6 =	simm.s32 $0x80;
	[sflag:s4] =	ssyncadd.s32 $0xFFFFFE00  }
0xb: {  	[tilespmem:s7], [sflag:$0x1] =	stream.indirect.gather [hbm4b:s1+s6], $0x80, s3, s6, $0xb8;
	[tilespmem:$0x10200] =	vst v63  }
0xc: {  	s8 =	simm.s32 $0x4200  }
0xd: {  	[tilespmem:s8], [sflag:$0x1] =	stream.indirect.gather [hbm4b:s1+s6], $0x80, s6, s6, $0xb8;
	[tilespmem:$0x10200] =	vst v63  }
0xe: {  	s9 =	simm.s32 $0x100;
	s10 =	simm.s32 $0x8200  }
0xf: {  	[tilespmem:s10], [sflag:$0x1] =	stream.indirect.gather [hbm4b:s1+s6], $0x80, s9, s6, $0xb8;
	[tilespmem:$0x10200] =	vst v63  }
0x10: {  	s11 =	simm.s32 $0x180;
	s12 =	simm.s32 $0xC200;
	s13 =	simm.s32 $0x1  }
0x11: {  	[tilespmem:s12], [sflag:$0x1] =	stream.indirect.gather [hbm4b:s1+s6], $0x80, s11, s6, $0xb8;
	[tilespmem:$0x10200] =	vst v63  }
0x12: {  	_ =	swait.ge [sflag:s13], $0x4000  }
0x13: {  	[sflag:s13] =	ssyncset.done $0x0  }
0x14: {  	[sflag:s13] =	ssyncadd.s32 $0xFFFFC000  }
0x15: {  	_ =	swait.ge [sflag:s13], $0x4000  }
0x16: {  	[sflag:s13] =	ssyncset.done $0x0  }
0x17: {  	s14 =	ssub.s32 $0x2, s14;
	[sflag:s13] =	ssyncadd.s32 $0xFFFFC000  }
0x18: {  	s17 =	sshrl.u32 s14, $0x1;
	_ =	swait.ge [sflag:s13], $0x4000  }
0x19: {  	s30 =	ssub.s32 s14, s17;
	[sflag:s13] =	ssyncset.done $0x0  }
0x1a: {  	s31 =	smax.u32 s30, $0x1;
	[sflag:s13] =	ssyncadd.s32 $0xFFFFC000  }
0x1b: {  	s16 =	sshll.u32 s16, $0x4;
	p0 =	sne.s32 s31, $0x1;
	_ =	swait.ge [sflag:s13], $0x4000  }
.Ltmp0:
0x1c: {  	s15 =	sadd.s32 s16, s15;
	[sflag:s13] =	ssyncset.done $0x0;
	(pc) =	sbr.rel @!p0 .LBB2_2-.Ltmp0, $4  }
0x1d: {  	s14 =	sadd.s32 $0xC00, s15;
	[sflag:s13] =	ssyncadd.s32 $0xFFFFC000  }
0x1e: {  	[hbm4b:s14+s3] =	stream.linear.scatter [tilespmem:s7], [sflag:$0x2], $0x10000, $0x38;
	[tilespmem:$0x10200] =	vst v63  }
0x1f: {  	_ =	swait.ge [sflag:s4], $0x10000  }
0x20: {  	s15 =	sadd.s32 $0xFFFFFFFF, s31;
	[sflag:s4] =	ssyncset.done $0x0  }
.LBB2_1:
0x21: {  	p0 =	sne.s32 s15, $0x1;
	s15 =	sadd.s32 $0xFFFFFFFF, s15;
	[sflag:s4] =	ssyncadd.s32 $0xFFFF0000  }
0x22: {  	[tilespmem:s3], [sflag:$0x2] =	stream.linear.gather [hbm4b:s5+s3], $0x200, $0x38;
	[tilespmem:$0x10200] =	vst v63  }
0x23: {  	_ =	swait.ge [sflag:s4], $0x200  }
0x24: {  	[sflag:s4] =	ssyncset.done $0x0  }
0x25: {  	[sflag:s4] =	ssyncadd.s32 $0xFFFFFE00  }
0x26: {  	[tilespmem:s7], [sflag:$0x1] =	stream.indirect.gather [hbm4b:s1+s6], $0x80, s3, s6, $0xb8;
	[tilespmem:$0x10200] =	vst v63  }
0x27: {  	_ = 	snop  }
0x28: {  	[tilespmem:s8], [sflag:$0x1] =	stream.indirect.gather [hbm4b:s1+s6], $0x80, s6, s6, $0xb8;
	[tilespmem:$0x10200] =	vst v63  }
0x29: {  	_ = 	snop  }
0x2a: {  	[tilespmem:s10], [sflag:$0x1] =	stream.indirect.gather [hbm4b:s1+s6], $0x80, s9, s6, $0xb8;
	[tilespmem:$0x10200] =	vst v63  }
0x2b: {  	_ = 	snop  }
0x2c: {  	[tilespmem:s12], [sflag:$0x1] =	stream.indirect.gather [hbm4b:s1+s6], $0x80, s11, s6, $0xb8;
	[tilespmem:$0x10200] =	vst v63  }
0x2d: {  	_ =	swait.ge [sflag:s13], $0x4000  }
0x2e: {  	[sflag:s13] =	ssyncset.done $0x0  }
0x2f: {  	[sflag:s13] =	ssyncadd.s32 $0xFFFFC000  }
0x30: {  	_ =	swait.ge [sflag:s13], $0x4000  }
0x31: {  	[sflag:s13] =	ssyncset.done $0x0  }
0x32: {  	[sflag:s13] =	ssyncadd.s32 $0xFFFFC000  }
0x33: {  	_ =	swait.ge [sflag:s13], $0x4000  }
0x34: {  	[sflag:s13] =	ssyncset.done $0x0  }
0x35: {  	[sflag:s13] =	ssyncadd.s32 $0xFFFFC000  }
0x36: {  	_ =	swait.ge [sflag:s13], $0x4000  }
.Ltmp1:
0x37: {  	[sflag:s13] =	ssyncset.done $0x0;
	(pc) =	sbr.rel @p0 .LBB2_1-.Ltmp1, $4  }
0x38: {  	[sflag:s13] =	ssyncadd.s32 $0xFFFFC000  }
0x39: {  	[hbm4b:s14+s3] =	stream.linear.scatter [tilespmem:s7], [sflag:$0x2], $0x10000, $0x38;
	[tilespmem:$0x10200] =	vst v63  }
0x3a: {  	_ =	swait.ge [sflag:s4], $0x10000  }
0x3b: {  	[sflag:s4] =	ssyncset.done $0x0  }
.LBB2_2:
0x3c: {  	[sflag:s4] =	ssyncadd.s32 $0xFFFF0000  }
0x3d: {  	_ =	sfence.sel $0x180000  }
0x3e: {  	[bflag:$0x0] =	sbarrier.arrive $0xFFFF  }
0x3f: {  	p0 =	sne.s32 s0, $0x0;
	_ =	strace $0x90000047  }
0x40: {  	s0 =	sadd.s32 @!p0 $0x100000, s2;
	[bflag:$0x2] =	sbarrier.arrive $0xFFFF  }
0x41: {  	[sflag:s0] =	ssyncadd.tile.s32 @!p0 $0x1;
	_ =	shalt  }
.Lfunc_end2:
_tile_overlayer_lowered:
.L_overlay_start_2:
0x42: {  	(tag) =	ssettag $0x2  }
0x43: {  	s0 =	rddreg [dreg:$0x0];
	s2 =	stileid.u32  }
0x44: {  	s1 =	rddreg [dreg:$0x1];
	p0 =	sne.s32 s2, $0x0  }
0x45: {  	s3 =	rddreg [dreg:$0x2];
	[bflag:$0x3] =	sbarrier.arrive $0xFFFF;
	s2 =	simm.s32 @!p0 $0x1C02  }
0x46: {  	[timem:s3], [sflag:s2] =	dma.local @!p0 [hbm:s0], s1  }
0x47: {  	s0 =	simm.s32 @!p0 $0x2  }
0x48: {  	_ =	swait.ge @!p0 [sflag:s0], s1  }
0x49: {  	s1 =	ssub.s32 @!p0 $0x0, s1;
	[sflag:s0] =	ssyncset.done @!p0 $0x0  }
0x4a: {  	[sflag:s0] =	ssyncadd.s32 @!p0 s1  }
0x4b: {  	[bflag:$0x3] =	sbarrier.arrive $0xFFFF  }
0x4c: {  	_ =	shalt  }

</sc_bundles>
